<compile_context>
chip_gen: v7x
topology: tpu7x:2x2x1
jax: 0.10.2.dev20260603
libtpu: 0.0.44.dev20260713+nightly
codegen_flags: <defaults>
</compile_context>

<pallas_src>
import functools

import jax
import jax.numpy as jnp
from jax import lax
from jax.experimental import pallas as pl
from jax.experimental.pallas import tpu as pltpu
from jax.experimental.pallas import tpu_sc as plsc

BATCH = 4096
SEQ = 200
HIDDEN = 128

NW = 32
ROWS = BATCH * SEQ
ROWS_PER_W = ROWS // NW
PAIR = 2 * SEQ
PAIR_PER_W = ROWS_PER_W // PAIR
DEPTH = 2


def _build():
    mesh = plsc.VectorSubcoreMesh(core_axis_name="c", subcore_axis_name="s")

    @functools.partial(
        pl.kernel,
        out_type=jax.ShapeDtypeStruct((ROWS, HIDDEN), jnp.float32),
        mesh=mesh,
        scratch_types=[
            pltpu.VMEM((ROWS_PER_W,), jnp.int32),
            pltpu.VMEM_SHARED((SEQ, HIDDEN), jnp.float32),
        ] + [pltpu.VMEM((PAIR, HIDDEN), jnp.float32) for _ in range(DEPTH)]
          + [pltpu.SemaphoreType.DMA for _ in range(3 * DEPTH)],
    )
    def emb_kernel(ids_hbm, tok_hbm, pos_hbm, out_hbm, idx_v, pos_v, *bs):
        bufs = bs[:DEPTH]
        gsem = bs[DEPTH:2 * DEPTH]
        osem = bs[2 * DEPTH:3 * DEPTH]
        psem = bs[3 * DEPTH:4 * DEPTH]

        wid = lax.axis_index("s") * 2 + lax.axis_index("c")
        base = wid * ROWS_PER_W

        pltpu.sync_copy(ids_hbm.at[wid], idx_v)

        @pl.when(lax.axis_index("s") == 0)
        def _():
            pltpu.sync_copy(pos_hbm, pos_v)

        plsc.subcore_barrier()

        def pparts(d):
            return ((pos_v, bufs[d].at[pl.ds(0, SEQ)], psem[d]),
                    (pos_v, bufs[d].at[pl.ds(SEQ, SEQ)], psem[d]))

        def fire_prefill(d):
            for part in pparts(d):
                pltpu.async_copy(*part)

        def wait_prefill(d):
            for part in pparts(d):
                pltpu.make_async_copy(*part).wait()

        def gparts(p, d):
            return (tok_hbm.at[idx_v.at[pl.ds(p * PAIR, PAIR)]], bufs[d],
                    gsem[d])

        def process(p, d):
            pltpu.make_async_copy(*gparts(p, d)).wait()
            dst = out_hbm.at[pl.ds(base + p * PAIR, PAIR)]
            pltpu.async_copy(bufs[d], dst, osem[d])

            @pl.when(p + DEPTH < PAIR_PER_W)
            def _():
                pltpu.make_async_copy(bufs[d], dst, osem[d]).wait()
                fire_prefill(d)
                wait_prefill(d)
                pltpu.async_copy(*gparts(p + DEPTH, d), add=True)

        for d in range(DEPTH):
            fire_prefill(d)
        for d in range(DEPTH):
            wait_prefill(d)
            pltpu.async_copy(*gparts(d, d), add=True)

        @pl.loop(0, PAIR_PER_W, step=DEPTH)
        def group(pb):
            for d in range(DEPTH):
                process(pb + d, d)

        for d in range(DEPTH):
            pltpu.make_async_copy(
                bufs[d], out_hbm.at[pl.ds(base, PAIR)], osem[d]).wait()

    return emb_kernel


_emb = _build()


def kernel(input_ids, token_embedding, position_embedding):
    ids = input_ids.reshape(NW, ROWS_PER_W).astype(jnp.int32)
    out = _emb(ids, token_embedding, position_embedding)
    return out.reshape(BATCH, SEQ, HIDDEN)

# --- scband reference (transcript-rebuilt; emitter-appended) ---
"""Pipeline reference for scband-owl-vi-ttext-embeddings-36876589204022 (READ-ONLY COPY).

The authoritative reference and input builder live on the scoring server;
editing this copy changes nothing except your own understanding.
"""

import jax, jax.numpy as jnp
import numpy as np

VOCAB = 100000
HIDDEN = 128
MAX_POS = 200
BATCH = 4096
SEQ = 200

def setup_inputs(seed: int = 0) -> dict:
    key = jax.random.key(seed)
    k1, k2, k3 = jax.random.split(key, 3)
    input_ids = jax.random.randint(k1, (BATCH, SEQ), 0, VOCAB, dtype=jnp.int64 if jax.config.jax_enable_x64 else jnp.int32)
    token_embedding = jax.random.normal(k2, (VOCAB, HIDDEN), dtype=jnp.float32) * 0.02
    position_embedding = jax.random.normal(k3, (MAX_POS, HIDDEN), dtype=jnp.float32) * 0.02
    return {"input_ids": input_ids, "token_embedding": token_embedding, "position_embedding": position_embedding}

def reference(input_ids, token_embedding, position_embedding):
    seq_length = input_ids.shape[-1]
    position_ids = jnp.arange(MAX_POS)[None, :][:, :seq_length]  # [1, seq]
    inputs_embeds = jnp.take(token_embedding, input_ids, axis=0)          # [B, S, H]
    position_embeddings = jnp.take(position_embedding, position_ids, axis=0)  # [1, S, H]
    embeddings = inputs_embeds + position_embeddings
    return embeddings

if __name__ == "__main__":
    import jax
    _d = setup_inputs()
    print(jax.jit(kernel)(*tuple(_d.values())))

</pallas_src>

<mosaic_0001>
#map = affine_map<(d0, d1) -> (0, 0)>
module attributes {stable_mosaic.version = 14 : i64} {
  func.func @emb_kernel(%arg0: i32, %arg1: i32, %arg2: memref<32x25600xi32, #tpu.memory_space<hbm>>, %arg3: memref<100000x128xf32, #tpu.memory_space<hbm>>, %arg4: memref<200x128xf32, #tpu.memory_space<hbm>>, %arg5: memref<819200x128xf32, #tpu.memory_space<hbm>>, %arg6: memref<25600xi32, #tpu.memory_space<vmem>>, %arg7: memref<200x128xf32, #tpu.memory_space<vmem_shared>>, %arg8: memref<400x128xf32, #tpu.memory_space<vmem>>, %arg9: memref<400x128xf32, #tpu.memory_space<vmem>>, %arg10: memref<!tpu.dma_semaphore, #tpu.memory_space<semaphore_mem>>, %arg11: memref<!tpu.dma_semaphore, #tpu.memory_space<semaphore_mem>>, %arg12: memref<!tpu.dma_semaphore, #tpu.memory_space<semaphore_mem>>, %arg13: memref<!tpu.dma_semaphore, #tpu.memory_space<semaphore_mem>>, %arg14: memref<!tpu.dma_semaphore, #tpu.memory_space<semaphore_mem>>, %arg15: memref<!tpu.dma_semaphore, #tpu.memory_space<semaphore_mem>>) attributes {dimension_semantics = [#tpu.dimension_semantics<core_parallel>, #tpu.dimension_semantics<subcore_parallel>], iteration_bounds = array<i64: 2, 16>, scalar_prefetch = 0 : i64, scratch_operands = 10 : i64, tpu.core_type = #tpu.core_type<sc_vector_subcore>, window_params = [{transform_indices = #map}, {transform_indices = #map}, {transform_indices = #map}, {transform_indices = #map}]} {
    %mul3A = arith.constant 2 : i32
    %mul3A_0 = arith.muli %arg1, %mul3A : i32
    %add3A = arith.addi %mul3A_0, %arg0 : i32
    %mul3A_1 = arith.constant 25600 : i32
    %mul3A_2 = arith.muli %add3A, %mul3A_1 : i32
    "tpu.region"() ({
      %run_scoped3A = tpu.sem_alloc : memref<!tpu.dma_semaphore, #tpu.memory_space<semaphore_mem>>
      %dma_start3A_73 = arith.constant 0 : i32
      %dma_start3A_74 = tpu.memref_slice %arg2[%add3A, %dma_start3A_73] : memref<32x25600xi32, #tpu.memory_space<hbm>> -> memref<1x25600xi32, #tpu.memory_space<hbm>>
      %dma_start3A_75 = tpu.memref_squeeze %dma_start3A_74 : memref<1x25600xi32, #tpu.memory_space<hbm>> -> memref<25600xi32, #tpu.memory_space<hbm>>
      %dma_start3A_76 = arith.constant 0 : i32
      %dma_start3A_77 = tpu.memref_slice %arg2[%add3A, %dma_start3A_76] : memref<32x25600xi32, #tpu.memory_space<hbm>> -> memref<1x25600xi32, #tpu.memory_space<hbm>>
      %dma_start3A_78 = tpu.memref_squeeze %dma_start3A_77 : memref<1x25600xi32, #tpu.memory_space<hbm>> -> memref<25600xi32, #tpu.memory_space<hbm>>
      tpu.enqueue_dma source(%dma_start3A_78 : memref<25600xi32, #tpu.memory_space<hbm>>) target(%arg6 : memref<25600xi32, #tpu.memory_space<vmem>>) target_semaphore(%run_scoped3A : memref<!tpu.dma_semaphore, #tpu.memory_space<semaphore_mem>>)
      %dma_wait3A_79 = arith.constant 0 : i32
      %dma_wait3A_80 = tpu.memref_slice %arg2[%add3A, %dma_wait3A_79] : memref<32x25600xi32, #tpu.memory_space<hbm>> -> memref<1x25600xi32, #tpu.memory_space<hbm>>
      %dma_wait3A_81 = tpu.memref_squeeze %dma_wait3A_80 : memref<1x25600xi32, #tpu.memory_space<hbm>> -> memref<25600xi32, #tpu.memory_space<hbm>>
      %dma_wait3A_82 = arith.constant 0 : i32
      %dma_wait3A_83 = tpu.memref_slice %arg2[%add3A, %dma_wait3A_82] : memref<32x25600xi32, #tpu.memory_space<hbm>> -> memref<1x25600xi32, #tpu.memory_space<hbm>>
      %dma_wait3A_84 = tpu.memref_squeeze %dma_wait3A_83 : memref<1x25600xi32, #tpu.memory_space<hbm>> -> memref<25600xi32, #tpu.memory_space<hbm>>
      tpu.wait_dma2 semaphore(%run_scoped3A : memref<!tpu.dma_semaphore, #tpu.memory_space<semaphore_mem>>) src(%dma_wait3A_84 : memref<25600xi32, #tpu.memory_space<hbm>>) dst(%arg6 : memref<25600xi32, #tpu.memory_space<vmem>>)
      tpu.yield
    }) : () -> ()
    %eq3A = arith.constant 0 : i32
    %eq3A_3 = arith.cmpi eq, %arg1, %eq3A : i32
    %convert_element_type3A = arith.extui %eq3A_3 : i1 to i32
    %cond3A = arith.constant 0 : i32
    %cond3A_4 = arith.cmpi ne, %convert_element_type3A, %cond3A : i32
    scf.if %cond3A_4 {
      "tpu.region"() ({
        %run_scoped3A = tpu.sem_alloc : memref<!tpu.dma_semaphore, #tpu.memory_space<semaphore_mem>>
        tpu.enqueue_dma source(%arg4 : memref<200x128xf32, #tpu.memory_space<hbm>>) target(%arg7 : memref<200x128xf32, #tpu.memory_space<vmem_shared>>) target_semaphore(%run_scoped3A : memref<!tpu.dma_semaphore, #tpu.memory_space<semaphore_mem>>)
        tpu.wait_dma2 semaphore(%run_scoped3A : memref<!tpu.dma_semaphore, #tpu.memory_space<semaphore_mem>>) src(%arg4 : memref<200x128xf32, #tpu.memory_space<hbm>>) dst(%arg7 : memref<200x128xf32, #tpu.memory_space<vmem_shared>>)
        tpu.yield
      }) : () -> ()
    } else {
    }
    %barrier3A = arith.constant 0 : index
    tpu.barrier barrier_id(%barrier3A)
    %dma_start3A = arith.constant 0 : i32
    %dma_start3A_5 = arith.constant 0 : i32
    %dma_start3A_6 = tpu.memref_slice %arg8[%dma_start3A, %dma_start3A_5] : memref<400x128xf32, #tpu.memory_space<vmem>> -> memref<200x128xf32, #tpu.memory_space<vmem>>
    %dma_start3A_7 = arith.constant 0 : i32
    %dma_start3A_8 = arith.constant 0 : i32
    %dma_start3A_9 = tpu.memref_slice %arg8[%dma_start3A_7, %dma_start3A_8] : memref<400x128xf32, #tpu.memory_space<vmem>> -> memref<200x128xf32, #tpu.memory_space<vmem>>
    tpu.enqueue_dma source(%arg7 : memref<200x128xf32, #tpu.memory_space<vmem_shared>>) target(%dma_start3A_9 : memref<200x128xf32, #tpu.memory_space<vmem>>) target_semaphore(%arg14 : memref<!tpu.dma_semaphore, #tpu.memory_space<semaphore_mem>>)
    %dma_start3A_10 = arith.constant 200 : i32
    %dma_start3A_11 = arith.constant 0 : i32
    %dma_start3A_12 = tpu.memref_slice %arg8[%dma_start3A_10, %dma_start3A_11] : memref<400x128xf32, #tpu.memory_space<vmem>> -> memref<200x128xf32, #tpu.memory_space<vmem>>
    %dma_start3A_13 = arith.constant 200 : i32
    %dma_start3A_14 = arith.constant 0 : i32
    %dma_start3A_15 = tpu.memref_slice %arg8[%dma_start3A_13, %dma_start3A_14] : memref<400x128xf32, #tpu.memory_space<vmem>> -> memref<200x128xf32, #tpu.memory_space<vmem>>
    tpu.enqueue_dma source(%arg7 : memref<200x128xf32, #tpu.memory_space<vmem_shared>>) target(%dma_start3A_15 : memref<200x128xf32, #tpu.memory_space<vmem>>) target_semaphore(%arg14 : memref<!tpu.dma_semaphore, #tpu.memory_space<semaphore_mem>>)
    %dma_start3A_16 = arith.constant 0 : i32
    %dma_start3A_17 = arith.constant 0 : i32
    %dma_start3A_18 = tpu.memref_slice %arg9[%dma_start3A_16, %dma_start3A_17] : memref<400x128xf32, #tpu.memory_space<vmem>> -> memref<200x128xf32, #tpu.memory_space<vmem>>
    %dma_start3A_19 = arith.constant 0 : i32
    %dma_start3A_20 = arith.constant 0 : i32
    %dma_start3A_21 = tpu.memref_slice %arg9[%dma_start3A_19, %dma_start3A_20] : memref<400x128xf32, #tpu.memory_space<vmem>> -> memref<200x128xf32, #tpu.memory_space<vmem>>
    tpu.enqueue_dma source(%arg7 : memref<200x128xf32, #tpu.memory_space<vmem_shared>>) target(%dma_start3A_21 : memref<200x128xf32, #tpu.memory_space<vmem>>) target_semaphore(%arg15 : memref<!tpu.dma_semaphore, #tpu.memory_space<semaphore_mem>>)
    %dma_start3A_22 = arith.constant 200 : i32
    %dma_start3A_23 = arith.constant 0 : i32
    %dma_start3A_24 = tpu.memref_slice %arg9[%dma_start3A_22, %dma_start3A_23] : memref<400x128xf32, #tpu.memory_space<vmem>> -> memref<200x128xf32, #tpu.memory_space<vmem>>
    %dma_start3A_25 = arith.constant 200 : i32
    %dma_start3A_26 = arith.constant 0 : i32
    %dma_start3A_27 = tpu.memref_slice %arg9[%dma_start3A_25, %dma_start3A_26] : memref<400x128xf32, #tpu.memory_space<vmem>> -> memref<200x128xf32, #tpu.memory_space<vmem>>
    tpu.enqueue_dma source(%arg7 : memref<200x128xf32, #tpu.memory_space<vmem_shared>>) target(%dma_start3A_27 : memref<200x128xf32, #tpu.memory_space<vmem>>) target_semaphore(%arg15 : memref<!tpu.dma_semaphore, #tpu.memory_space<semaphore_mem>>)
    %dma_wait3A = arith.constant 0 : i32
    %dma_wait3A_28 = arith.constant 0 : i32
    %dma_wait3A_29 = tpu.memref_slice %arg8[%dma_wait3A, %dma_wait3A_28] : memref<400x128xf32, #tpu.memory_space<vmem>> -> memref<200x128xf32, #tpu.memory_space<vmem>>
    %dma_wait3A_30 = arith.constant 0 : i32
    %dma_wait3A_31 = arith.constant 0 : i32
    %dma_wait3A_32 = tpu.memref_slice %arg8[%dma_wait3A_30, %dma_wait3A_31] : memref<400x128xf32, #tpu.memory_space<vmem>> -> memref<200x128xf32, #tpu.memory_space<vmem>>
    tpu.wait_dma2 semaphore(%arg14 : memref<!tpu.dma_semaphore, #tpu.memory_space<semaphore_mem>>) src(%arg7 : memref<200x128xf32, #tpu.memory_space<vmem_shared>>) dst(%dma_wait3A_32 : memref<200x128xf32, #tpu.memory_space<vmem>>)
    %dma_wait3A_33 = arith.constant 200 : i32
    %dma_wait3A_34 = arith.constant 0 : i32
    %dma_wait3A_35 = tpu.memref_slice %arg8[%dma_wait3A_33, %dma_wait3A_34] : memref<400x128xf32, #tpu.memory_space<vmem>> -> memref<200x128xf32, #tpu.memory_space<vmem>>
    %dma_wait3A_36 = arith.constant 200 : i32
    %dma_wait3A_37 = arith.constant 0 : i32
    %dma_wait3A_38 = tpu.memref_slice %arg8[%dma_wait3A_36, %dma_wait3A_37] : memref<400x128xf32, #tpu.memory_space<vmem>> -> memref<200x128xf32, #tpu.memory_space<vmem>>
    tpu.wait_dma2 semaphore(%arg14 : memref<!tpu.dma_semaphore, #tpu.memory_space<semaphore_mem>>) src(%arg7 : memref<200x128xf32, #tpu.memory_space<vmem_shared>>) dst(%dma_wait3A_38 : memref<200x128xf32, #tpu.memory_space<vmem>>)
    %dma_start3A_39 = arith.constant 0 : i32
    %dma_start3A_40 = tpu.memref_slice %arg6[%dma_start3A_39] : memref<25600xi32, #tpu.memory_space<vmem>> -> memref<400xi32, #tpu.memory_space<vmem>>
    %dma_start3A_41 = arith.constant 0 : i32
    %dma_start3A_42 = arith.constant 0 : i32
    %dma_start3A_43 = tpu.memref_slice %arg3[%dma_start3A_41, %dma_start3A_42] : memref<100000x128xf32, #tpu.memory_space<hbm>> -> memref<100000x128xf32, #tpu.memory_space<hbm>>
    tpu.enqueue_indirect_dma source(%dma_start3A_43 : memref<100000x128xf32, #tpu.memory_space<hbm>>) target(%arg8 : memref<400x128xf32, #tpu.memory_space<vmem>>) offsets(%dma_start3A_40 : memref<400xi32, #tpu.memory_space<vmem>>) semaphore(%arg10 : memref<!tpu.dma_semaphore, #tpu.memory_space<semaphore_mem>>) {add = true}
    %dma_wait3A_44 = arith.constant 0 : i32
    %dma_wait3A_45 = arith.constant 0 : i32
    %dma_wait3A_46 = tpu.memref_slice %arg9[%dma_wait3A_44, %dma_wait3A_45] : memref<400x128xf32, #tpu.memory_space<vmem>> -> memref<200x128xf32, #tpu.memory_space<vmem>>
    %dma_wait3A_47 = arith.constant 0 : i32
    %dma_wait3A_48 = arith.constant 0 : i32
    %dma_wait3A_49 = tpu.memref_slice %arg9[%dma_wait3A_47, %dma_wait3A_48] : memref<400x128xf32, #tpu.memory_space<vmem>> -> memref<200x128xf32, #tpu.memory_space<vmem>>
    tpu.wait_dma2 semaphore(%arg15 : memref<!tpu.dma_semaphore, #tpu.memory_space<semaphore_mem>>) src(%arg7 : memref<200x128xf32, #tpu.memory_space<vmem_shared>>) dst(%dma_wait3A_49 : memref<200x128xf32, #tpu.memory_space<vmem>>)
    %dma_wait3A_50 = arith.constant 200 : i32
    %dma_wait3A_51 = arith.constant 0 : i32
    %dma_wait3A_52 = tpu.memref_slice %arg9[%dma_wait3A_50, %dma_wait3A_51] : memref<400x128xf32, #tpu.memory_space<vmem>> -> memref<200x128xf32, #tpu.memory_space<vmem>>
    %dma_wait3A_53 = arith.constant 200 : i32
    %dma_wait3A_54 = arith.constant 0 : i32
    %dma_wait3A_55 = tpu.memref_slice %arg9[%dma_wait3A_53, %dma_wait3A_54] : memref<400x128xf32, #tpu.memory_space<vmem>> -> memref<200x128xf32, #tpu.memory_space<vmem>>
    tpu.wait_dma2 semaphore(%arg15 : memref<!tpu.dma_semaphore, #tpu.memory_space<semaphore_mem>>) src(%arg7 : memref<200x128xf32, #tpu.memory_space<vmem_shared>>) dst(%dma_wait3A_55 : memref<200x128xf32, #tpu.memory_space<vmem>>)
    %dma_start3A_56 = arith.constant 400 : i32
    %dma_start3A_57 = tpu.memref_slice %arg6[%dma_start3A_56] : memref<25600xi32, #tpu.memory_space<vmem>> -> memref<400xi32, #tpu.memory_space<vmem>>
    %dma_start3A_58 = arith.constant 0 : i32
    %dma_start3A_59 = arith.constant 0 : i32
    %dma_start3A_60 = tpu.memref_slice %arg3[%dma_start3A_58, %dma_start3A_59] : memref<100000x128xf32, #tpu.memory_space<hbm>> -> memref<100000x128xf32, #tpu.memory_space<hbm>>
    tpu.enqueue_indirect_dma source(%dma_start3A_60 : memref<100000x128xf32, #tpu.memory_space<hbm>>) target(%arg9 : memref<400x128xf32, #tpu.memory_space<vmem>>) offsets(%dma_start3A_57 : memref<400xi32, #tpu.memory_space<vmem>>) semaphore(%arg11 : memref<!tpu.dma_semaphore, #tpu.memory_space<semaphore_mem>>) {add = true}
    %scan3A = arith.constant 0 : i32
    %scan3A_61 = arith.constant 32 : i32
    %scan3A_62 = arith.addi %scan3A, %scan3A_61 : i32
    %scan3A_63 = arith.constant 1 : i32
    scf.for %scan3A_73 = %scan3A to %scan3A_62 step %scan3A_63  : i32 {
      %mul3A_74 = arith.constant 2 : i32
      %mul3A_75 = arith.muli %scan3A_73, %mul3A_74 : i32
      %add3A_76 = arith.constant 0 : i32
      %add3A_77 = arith.addi %add3A_76, %mul3A_75 : i32
      %add3A_78 = arith.constant 0 : i32
      %add3A_79 = arith.addi %add3A_77, %add3A_78 : i32
      %mul3A_80 = arith.constant 400 : i32
      %mul3A_81 = arith.muli %add3A_79, %mul3A_80 : i32
      %dma_wait3A_82 = tpu.memref_slice %arg6[%mul3A_81] : memref<25600xi32, #tpu.memory_space<vmem>> -> memref<400xi32, #tpu.memory_space<vmem>>
      %dma_wait3A_83 = arith.constant 0 : i32
      %dma_wait3A_84 = arith.constant 0 : i32
      %dma_wait3A_85 = tpu.memref_slice %arg3[%dma_wait3A_83, %dma_wait3A_84] : memref<100000x128xf32, #tpu.memory_space<hbm>> -> memref<100000x128xf32, #tpu.memory_space<hbm>>
      tpu.wait_indirect_dma semaphore(%arg10 : memref<!tpu.dma_semaphore, #tpu.memory_space<semaphore_mem>>) src(%dma_wait3A_85 : memref<100000x128xf32, #tpu.memory_space<hbm>>) dst(%arg8 : memref<400x128xf32, #tpu.memory_space<vmem>>)
      %mul3A_86 = arith.constant 400 : i32
      %mul3A_87 = arith.muli %add3A_79, %mul3A_86 : i32
      %add3A_88 = arith.addi %mul3A_2, %mul3A_87 : i32
      %dma_start3A_89 = arith.constant 0 : i32
      %dma_start3A_90 = tpu.memref_slice %arg5[%add3A_88, %dma_start3A_89] : memref<819200x128xf32, #tpu.memory_space<hbm>> -> memref<400x128xf32, #tpu.memory_space<hbm>>
      %dma_start3A_91 = arith.constant 0 : i32
      %dma_start3A_92 = tpu.memref_slice %arg5[%add3A_88, %dma_start3A_91] : memref<819200x128xf32, #tpu.memory_space<hbm>> -> memref<400x128xf32, #tpu.memory_space<hbm>>
      tpu.enqueue_dma source(%arg8 : memref<400x128xf32, #tpu.memory_space<vmem>>) target(%dma_start3A_92 : memref<400x128xf32, #tpu.memory_space<hbm>>) target_semaphore(%arg12 : memref<!tpu.dma_semaphore, #tpu.memory_space<semaphore_mem>>)
      %add3A_93 = arith.constant 2 : i32
      %add3A_94 = arith.addi %add3A_79, %add3A_93 : i32
      %lt3A = arith.constant 64 : i32
      %lt3A_95 = arith.cmpi slt, %add3A_94, %lt3A : i32
      %convert_element_type3A_96 = arith.extui %lt3A_95 : i1 to i32
      %cond3A_97 = arith.constant 0 : i32
      %cond3A_98 = arith.cmpi ne, %convert_element_type3A_96, %cond3A_97 : i32
      scf.if %cond3A_98 {
        %dma_wait3A_121 = arith.constant 0 : i32
        %dma_wait3A_122 = tpu.memref_slice %arg5[%add3A_88, %dma_wait3A_121] : memref<819200x128xf32, #tpu.memory_space<hbm>> -> memref<400x128xf32, #tpu.memory_space<hbm>>
        %dma_wait3A_123 = arith.constant 0 : i32
        %dma_wait3A_124 = tpu.memref_slice %arg5[%add3A_88, %dma_wait3A_123] : memref<819200x128xf32, #tpu.memory_space<hbm>> -> memref<400x128xf32, #tpu.memory_space<hbm>>
        tpu.wait_dma2 semaphore(%arg12 : memref<!tpu.dma_semaphore, #tpu.memory_space<semaphore_mem>>) src(%arg8 : memref<400x128xf32, #tpu.memory_space<vmem>>) dst(%dma_wait3A_124 : memref<400x128xf32, #tpu.memory_space<hbm>>)
        %dma_start3A_125 = arith.constant 0 : i32
        %dma_start3A_126 = arith.constant 0 : i32
        %dma_start3A_127 = tpu.memref_slice %arg8[%dma_start3A_125, %dma_start3A_126] : memref<400x128xf32, #tpu.memory_space<vmem>> -> memref<200x128xf32, #tpu.memory_space<vmem>>
        %dma_start3A_128 = arith.constant 0 : i32
        %dma_start3A_129 = arith.constant 0 : i32
        %dma_start3A_130 = tpu.memref_slice %arg8[%dma_start3A_128, %dma_start3A_129] : memref<400x128xf32, #tpu.memory_space<vmem>> -> memref<200x128xf32, #tpu.memory_space<vmem>>
        tpu.enqueue_dma source(%arg7 : memref<200x128xf32, #tpu.memory_space<vmem_shared>>) target(%dma_start3A_130 : memref<200x128xf32, #tpu.memory_space<vmem>>) target_semaphore(%arg14 : memref<!tpu.dma_semaphore, #tpu.memory_space<semaphore_mem>>)
        %dma_start3A_131 = arith.constant 200 : i32
        %dma_start3A_132 = arith.constant 0 : i32
        %dma_start3A_133 = tpu.memref_slice %arg8[%dma_start3A_131, %dma_start3A_132] : memref<400x128xf32, #tpu.memory_space<vmem>> -> memref<200x128xf32, #tpu.memory_space<vmem>>
        %dma_start3A_134 = arith.constant 200 : i32
        %dma_start3A_135 = arith.constant 0 : i32
        %dma_start3A_136 = tpu.memref_slice %arg8[%dma_start3A_134, %dma_start3A_135] : memref<400x128xf32, #tpu.memory_space<vmem>> -> memref<200x128xf32, #tpu.memory_space<vmem>>
        tpu.enqueue_dma source(%arg7 : memref<200x128xf32, #tpu.memory_space<vmem_shared>>) target(%dma_start3A_136 : memref<200x128xf32, #tpu.memory_space<vmem>>) target_semaphore(%arg14 : memref<!tpu.dma_semaphore, #tpu.memory_space<semaphore_mem>>)
        %dma_wait3A_137 = arith.constant 0 : i32
        %dma_wait3A_138 = arith.constant 0 : i32
        %dma_wait3A_139 = tpu.memref_slice %arg8[%dma_wait3A_137, %dma_wait3A_138] : memref<400x128xf32, #tpu.memory_space<vmem>> -> memref<200x128xf32, #tpu.memory_space<vmem>>
        %dma_wait3A_140 = arith.constant 0 : i32
        %dma_wait3A_141 = arith.constant 0 : i32
        %dma_wait3A_142 = tpu.memref_slice %arg8[%dma_wait3A_140, %dma_wait3A_141] : memref<400x128xf32, #tpu.memory_space<vmem>> -> memref<200x128xf32, #tpu.memory_space<vmem>>
        tpu.wait_dma2 semaphore(%arg14 : memref<!tpu.dma_semaphore, #tpu.memory_space<semaphore_mem>>) src(%arg7 : memref<200x128xf32, #tpu.memory_space<vmem_shared>>) dst(%dma_wait3A_142 : memref<200x128xf32, #tpu.memory_space<vmem>>)
        %dma_wait3A_143 = arith.constant 200 : i32
        %dma_wait3A_144 = arith.constant 0 : i32
        %dma_wait3A_145 = tpu.memref_slice %arg8[%dma_wait3A_143, %dma_wait3A_144] : memref<400x128xf32, #tpu.memory_space<vmem>> -> memref<200x128xf32, #tpu.memory_space<vmem>>
        %dma_wait3A_146 = arith.constant 200 : i32
        %dma_wait3A_147 = arith.constant 0 : i32
        %dma_wait3A_148 = tpu.memref_slice %arg8[%dma_wait3A_146, %dma_wait3A_147] : memref<400x128xf32, #tpu.memory_space<vmem>> -> memref<200x128xf32, #tpu.memory_space<vmem>>
        tpu.wait_dma2 semaphore(%arg14 : memref<!tpu.dma_semaphore, #tpu.memory_space<semaphore_mem>>) src(%arg7 : memref<200x128xf32, #tpu.memory_space<vmem_shared>>) dst(%dma_wait3A_148 : memref<200x128xf32, #tpu.memory_space<vmem>>)
        %add3A_149 = arith.constant 2 : i32
        %add3A_150 = arith.addi %add3A_79, %add3A_149 : i32
        %mul3A_151 = arith.constant 400 : i32
        %mul3A_152 = arith.muli %add3A_150, %mul3A_151 : i32
        %dma_start3A_153 = tpu.memref_slice %arg6[%mul3A_152] : memref<25600xi32, #tpu.memory_space<vmem>> -> memref<400xi32, #tpu.memory_space<vmem>>
        %dma_start3A_154 = arith.constant 0 : i32
        %dma_start3A_155 = arith.constant 0 : i32
        %dma_start3A_156 = tpu.memref_slice %arg3[%dma_start3A_154, %dma_start3A_155] : memref<100000x128xf32, #tpu.memory_space<hbm>> -> memref<100000x128xf32, #tpu.memory_space<hbm>>
        tpu.enqueue_indirect_dma source(%dma_start3A_156 : memref<100000x128xf32, #tpu.memory_space<hbm>>) target(%arg8 : memref<400x128xf32, #tpu.memory_space<vmem>>) offsets(%dma_start3A_153 : memref<400xi32, #tpu.memory_space<vmem>>) semaphore(%arg10 : memref<!tpu.dma_semaphore, #tpu.memory_space<semaphore_mem>>) {add = true}
      } else {
      }
      %add3A_99 = arith.constant 1 : i32
      %add3A_100 = arith.addi %add3A_77, %add3A_99 : i32
      %mul3A_101 = arith.constant 400 : i32
      %mul3A_102 = arith.muli %add3A_100, %mul3A_101 : i32
      %dma_wait3A_103 = tpu.memref_slice %arg6[%mul3A_102] : memref<25600xi32, #tpu.memory_space<vmem>> -> memref<400xi32, #tpu.memory_space<vmem>>
      %dma_wait3A_104 = arith.constant 0 : i32
      %dma_wait3A_105 = arith.constant 0 : i32
      %dma_wait3A_106 = tpu.memref_slice %arg3[%dma_wait3A_104, %dma_wait3A_105] : memref<100000x128xf32, #tpu.memory_space<hbm>> -> memref<100000x128xf32, #tpu.memory_space<hbm>>
      tpu.wait_indirect_dma semaphore(%arg11 : memref<!tpu.dma_semaphore, #tpu.memory_space<semaphore_mem>>) src(%dma_wait3A_106 : memref<100000x128xf32, #tpu.memory_space<hbm>>) dst(%arg9 : memref<400x128xf32, #tpu.memory_space<vmem>>)
      %mul3A_107 = arith.constant 400 : i32
      %mul3A_108 = arith.muli %add3A_100, %mul3A_107 : i32
      %add3A_109 = arith.addi %mul3A_2, %mul3A_108 : i32
      %dma_start3A_110 = arith.constant 0 : i32
      %dma_start3A_111 = tpu.memref_slice %arg5[%add3A_109, %dma_start3A_110] : memref<819200x128xf32, #tpu.memory_space<hbm>> -> memref<400x128xf32, #tpu.memory_space<hbm>>
      %dma_start3A_112 = arith.constant 0 : i32
      %dma_start3A_113 = tpu.memref_slice %arg5[%add3A_109, %dma_start3A_112] : memref<819200x128xf32, #tpu.memory_space<hbm>> -> memref<400x128xf32, #tpu.memory_space<hbm>>
      tpu.enqueue_dma source(%arg9 : memref<400x128xf32, #tpu.memory_space<vmem>>) target(%dma_start3A_113 : memref<400x128xf32, #tpu.memory_space<hbm>>) target_semaphore(%arg13 : memref<!tpu.dma_semaphore, #tpu.memory_space<semaphore_mem>>)
      %add3A_114 = arith.constant 2 : i32
      %add3A_115 = arith.addi %add3A_100, %add3A_114 : i32
      %lt3A_116 = arith.constant 64 : i32
      %lt3A_117 = arith.cmpi slt, %add3A_115, %lt3A_116 : i32
      %convert_element_type3A_118 = arith.extui %lt3A_117 : i1 to i32
      %cond3A_119 = arith.constant 0 : i32
      %cond3A_120 = arith.cmpi ne, %convert_element_type3A_118, %cond3A_119 : i32
      scf.if %cond3A_120 {
        %dma_wait3A_121 = arith.constant 0 : i32
        %dma_wait3A_122 = tpu.memref_slice %arg5[%add3A_109, %dma_wait3A_121] : memref<819200x128xf32, #tpu.memory_space<hbm>> -> memref<400x128xf32, #tpu.memory_space<hbm>>
        %dma_wait3A_123 = arith.constant 0 : i32
        %dma_wait3A_124 = tpu.memref_slice %arg5[%add3A_109, %dma_wait3A_123] : memref<819200x128xf32, #tpu.memory_space<hbm>> -> memref<400x128xf32, #tpu.memory_space<hbm>>
        tpu.wait_dma2 semaphore(%arg13 : memref<!tpu.dma_semaphore, #tpu.memory_space<semaphore_mem>>) src(%arg9 : memref<400x128xf32, #tpu.memory_space<vmem>>) dst(%dma_wait3A_124 : memref<400x128xf32, #tpu.memory_space<hbm>>)
        %dma_start3A_125 = arith.constant 0 : i32
        %dma_start3A_126 = arith.constant 0 : i32
        %dma_start3A_127 = tpu.memref_slice %arg9[%dma_start3A_125, %dma_start3A_126] : memref<400x128xf32, #tpu.memory_space<vmem>> -> memref<200x128xf32, #tpu.memory_space<vmem>>
        %dma_start3A_128 = arith.constant 0 : i32
        %dma_start3A_129 = arith.constant 0 : i32
        %dma_start3A_130 = tpu.memref_slice %arg9[%dma_start3A_128, %dma_start3A_129] : memref<400x128xf32, #tpu.memory_space<vmem>> -> memref<200x128xf32, #tpu.memory_space<vmem>>
        tpu.enqueue_dma source(%arg7 : memref<200x128xf32, #tpu.memory_space<vmem_shared>>) target(%dma_start3A_130 : memref<200x128xf32, #tpu.memory_space<vmem>>) target_semaphore(%arg15 : memref<!tpu.dma_semaphore, #tpu.memory_space<semaphore_mem>>)
        %dma_start3A_131 = arith.constant 200 : i32
        %dma_start3A_132 = arith.constant 0 : i32
        %dma_start3A_133 = tpu.memref_slice %arg9[%dma_start3A_131, %dma_start3A_132] : memref<400x128xf32, #tpu.memory_space<vmem>> -> memref<200x128xf32, #tpu.memory_space<vmem>>
        %dma_start3A_134 = arith.constant 200 : i32
        %dma_start3A_135 = arith.constant 0 : i32
        %dma_start3A_136 = tpu.memref_slice %arg9[%dma_start3A_134, %dma_start3A_135] : memref<400x128xf32, #tpu.memory_space<vmem>> -> memref<200x128xf32, #tpu.memory_space<vmem>>
        tpu.enqueue_dma source(%arg7 : memref<200x128xf32, #tpu.memory_space<vmem_shared>>) target(%dma_start3A_136 : memref<200x128xf32, #tpu.memory_space<vmem>>) target_semaphore(%arg15 : memref<!tpu.dma_semaphore, #tpu.memory_space<semaphore_mem>>)
        %dma_wait3A_137 = arith.constant 0 : i32
        %dma_wait3A_138 = arith.constant 0 : i32
        %dma_wait3A_139 = tpu.memref_slice %arg9[%dma_wait3A_137, %dma_wait3A_138] : memref<400x128xf32, #tpu.memory_space<vmem>> -> memref<200x128xf32, #tpu.memory_space<vmem>>
        %dma_wait3A_140 = arith.constant 0 : i32
        %dma_wait3A_141 = arith.constant 0 : i32
        %dma_wait3A_142 = tpu.memref_slice %arg9[%dma_wait3A_140, %dma_wait3A_141] : memref<400x128xf32, #tpu.memory_space<vmem>> -> memref<200x128xf32, #tpu.memory_space<vmem>>
        tpu.wait_dma2 semaphore(%arg15 : memref<!tpu.dma_semaphore, #tpu.memory_space<semaphore_mem>>) src(%arg7 : memref<200x128xf32, #tpu.memory_space<vmem_shared>>) dst(%dma_wait3A_142 : memref<200x128xf32, #tpu.memory_space<vmem>>)
        %dma_wait3A_143 = arith.constant 200 : i32
        %dma_wait3A_144 = arith.constant 0 : i32
        %dma_wait3A_145 = tpu.memref_slice %arg9[%dma_wait3A_143, %dma_wait3A_144] : memref<400x128xf32, #tpu.memory_space<vmem>> -> memref<200x128xf32, #tpu.memory_space<vmem>>
        %dma_wait3A_146 = arith.constant 200 : i32
        %dma_wait3A_147 = arith.constant 0 : i32
        %dma_wait3A_148 = tpu.memref_slice %arg9[%dma_wait3A_146, %dma_wait3A_147] : memref<400x128xf32, #tpu.memory_space<vmem>> -> memref<200x128xf32, #tpu.memory_space<vmem>>
        tpu.wait_dma2 semaphore(%arg15 : memref<!tpu.dma_semaphore, #tpu.memory_space<semaphore_mem>>) src(%arg7 : memref<200x128xf32, #tpu.memory_space<vmem_shared>>) dst(%dma_wait3A_148 : memref<200x128xf32, #tpu.memory_space<vmem>>)
        %add3A_149 = arith.constant 2 : i32
        %add3A_150 = arith.addi %add3A_100, %add3A_149 : i32
        %mul3A_151 = arith.constant 400 : i32
        %mul3A_152 = arith.muli %add3A_150, %mul3A_151 : i32
        %dma_start3A_153 = tpu.memref_slice %arg6[%mul3A_152] : memref<25600xi32, #tpu.memory_space<vmem>> -> memref<400xi32, #tpu.memory_space<vmem>>
        %dma_start3A_154 = arith.constant 0 : i32
        %dma_start3A_155 = arith.constant 0 : i32
        %dma_start3A_156 = tpu.memref_slice %arg3[%dma_start3A_154, %dma_start3A_155] : memref<100000x128xf32, #tpu.memory_space<hbm>> -> memref<100000x128xf32, #tpu.memory_space<hbm>>
        tpu.enqueue_indirect_dma source(%dma_start3A_156 : memref<100000x128xf32, #tpu.memory_space<hbm>>) target(%arg9 : memref<400x128xf32, #tpu.memory_space<vmem>>) offsets(%dma_start3A_153 : memref<400xi32, #tpu.memory_space<vmem>>) semaphore(%arg11 : memref<!tpu.dma_semaphore, #tpu.memory_space<semaphore_mem>>) {add = true}
      } else {
      }
    }
    %scan3A_64 = arith.constant 32 : i32
    %dma_wait3A_65 = arith.constant 0 : i32
    %dma_wait3A_66 = tpu.memref_slice %arg5[%mul3A_2, %dma_wait3A_65] : memref<819200x128xf32, #tpu.memory_space<hbm>> -> memref<400x128xf32, #tpu.memory_space<hbm>>
    %dma_wait3A_67 = arith.constant 0 : i32
    %dma_wait3A_68 = tpu.memref_slice %arg5[%mul3A_2, %dma_wait3A_67] : memref<819200x128xf32, #tpu.memory_space<hbm>> -> memref<400x128xf32, #tpu.memory_space<hbm>>
    tpu.wait_dma2 semaphore(%arg12 : memref<!tpu.dma_semaphore, #tpu.memory_space<semaphore_mem>>) src(%arg8 : memref<400x128xf32, #tpu.memory_space<vmem>>) dst(%dma_wait3A_68 : memref<400x128xf32, #tpu.memory_space<hbm>>)
    %dma_wait3A_69 = arith.constant 0 : i32
    %dma_wait3A_70 = tpu.memref_slice %arg5[%mul3A_2, %dma_wait3A_69] : memref<819200x128xf32, #tpu.memory_space<hbm>> -> memref<400x128xf32, #tpu.memory_space<hbm>>
    %dma_wait3A_71 = arith.constant 0 : i32
    %dma_wait3A_72 = tpu.memref_slice %arg5[%mul3A_2, %dma_wait3A_71] : memref<819200x128xf32, #tpu.memory_space<hbm>> -> memref<400x128xf32, #tpu.memory_space<hbm>>
    tpu.wait_dma2 semaphore(%arg13 : memref<!tpu.dma_semaphore, #tpu.memory_space<semaphore_mem>>) src(%arg9 : memref<400x128xf32, #tpu.memory_space<vmem>>) dst(%dma_wait3A_72 : memref<400x128xf32, #tpu.memory_space<hbm>>)
    return
  }
}

</mosaic_0001>

<sc_bundles>
// kernel: kernel.3.cloned.1.call-start
scs
__scs_entry_jumppad:
0x0: {  	(pc) =	sbr.rel $0x88, $3  }
0x1: {  	(tag) =	ssettag $0x0;
	lr =	simm.s32 $0x1  }
0x2: {  	[smem:$0x3F9E] =	sst lr;
	_ =	strace $0xD0000000  }
0x3: {  	_ = 	snop  }
0x4: {  	_ = 	snop  }
0x5: {  	_ = 	snop  }
0x6: {  	_ = 	snop  }
0x7: {  	_ = 	snop  }
__scs_overlays_trampoline_lowered:
0x8: {  	[smem:$0x3FAD] =	sst s0  }
0x9: {  	[smem:$0x3FAE] =	sst s1  }
0xa: {  	[smem:$0x3FAF] =	sst s2  }
0xb: {  	[smem:$0x3FB0] =	sst s3  }
0xc: {  	[smem:$0x3FB1] =	sst s4  }
0xd: {  	[smem:$0x3FB2] =	sst s5  }
0xe: {  	[smem:$0x3FB3] =	sst s6  }
0xf: {  	[smem:$0x3FB4] =	sst s7  }
0x10: {  	[smem:$0x3FB5] =	sst s8  }
0x11: {  	[smem:$0x3FB6] =	sst s9;
	s0 =	simm.s32 @!p0 $0x0  }
0x12: {  	s1 =	sld [smem:$0x3F9C];
	s0 =	simm.s32 @p0 $0x1  }
0x13: {  	[smem:$0x3FB7] =	sst s0;
	s0 =	simm.s32 @!p1 $0x0  }
0x14: {  	s2 =	sld [smem:$0x3F9B];
	s0 =	simm.s32 @p1 $0x1  }
0x15: {  	[smem:$0x3FB8] =	sst s0;
	s0 =	simm.s32 @!p2 $0x0  }
0x16: {  	s3 =	sld [smem:$0x3FDB];
	s0 =	simm.s32 @p2 $0x1  }
0x17: {  	s4 =	simm.s32 $0x1BF5;
	[smem:$0x3FBA] =	sst s0  }
0x18: {  	s0 =	sld [smem:$0x3F9D];
	_ =	swait.ge [sflag:s4], $0x0  }
0x19: {  	s7 =	sld [smem:$0x3F9E]  }
0x1a: {  	s8 =	sadd.s32 $0xFFFFE003, lr  }
0x1b: {  	s9 =	sadd.s32 $0xFFFFFEF7, lr;
	s5 =	simm.s32 $0xFFFFFFFF;
	p2 =	slt.u32 s8, $0xFFFFF086  }
0x1c: {  	p1 =	slt.u32 s9, $0xF7A;
	s5 =	simm.s32 @!p2 $0x0  }
0x1d: {  	s5 =	simm.s32 @p1 $0x1;
	p0 =	seq.s32 s7, s2  }
0x1e: {  	s7 =	smul.u32 @!p0 $0xF7A, s2;
	p2 =	seq.s32 @!p0 s5, $0x0  }
0x1f: {  	s9 =	smul.u32 $0xF7A, s1;
	s8 =	simm.s32 @!p0 $0x1BF5;
	p2 =	por !p2, p0  }
0x20: {  	[sflag:s8] =	ssyncset.s32 @!p0 $0xFFFFF086;
	s6 =	sadd.s32 @!p0 s3, s7;
	s7 =	simm.s32 @!p0 $0x108  }
0x21: {  	s3 =	sadd.s32 s3, s9;
	s6 =	sadd.s32 @!p0 $0x88, s6;
	s7 =	simm.s32 @p2 $0x1082  }
0x22: {  	[simem:s7], [sflag:s8] =	dma.local @!p0 [hbm:s6], $0xF7A  }
0x23: {  	s9 =	sor.u32 $0xD0000000, s2;
	s6 =	simm.s32 $0x108;
	_ =	swait.ge @!p0 [sflag:s8], $0x0  }
0x24: {  	s3 =	sadd.s32 $0x88, s3;
	s6 =	simm.s32 @!p1 $0x1082;
	[sflag:s4] =	ssyncset.s32 $0xFFFFF086  }
0x25: {  	[simem:s6], [sflag:s4] =	dma.local [hbm:s3], $0xF7A  }
0x26: {  	[smem:$0x3F9E] =	sst s1;
	(tag) =	ssettag s2;
	_ =	strace s9  }
0x27: {  	s1 =	sld [smem:$0x3FAE]  }
0x28: {  	s2 =	sld [smem:$0x3FAF]  }
0x29: {  	s4 =	sld [smem:$0x3FB1]  }
0x2a: {  	p0 =	seq.s32 s5, $0x0;
	s5 =	sld [smem:$0x3FB2]  }
0x2b: {  	s6 =	sld [smem:$0x3FB3]  }
0x2c: {  	s7 =	sld [smem:$0x3FB4]  }
0x2d: {  	s3 =	simm.s32 $0x108;
	s8 =	sld [smem:$0x3FB5]  }
0x2e: {  	s3 =	simm.s32 @!p0 $0x1082;
	s9 =	sld [smem:$0x3FB6]  }
0x2f: {  	lr =	sadd.s32 s0, s3;
	s0 =	sld [smem:$0x3FAD]  }
0x30: {  	s3 =	sld [smem:$0x3FB0]  }
0x31: {  	[smem:$0x3FB9] =	sst s10  }
0x32: {  	s10 =	sld [smem:$0x3FB7];
	_ =	sdelay $0x3  }
0x33: {  	p0 =	seq.s32 s10, $0x1;
	s10 =	sld [smem:$0x3FB9];
	_ =	sdelay $0x3  }
0x34: {  	[smem:$0x3FB9] =	sst s10  }
0x35: {  	s10 =	sld [smem:$0x3FB8];
	_ =	sdelay $0x3  }
0x36: {  	p1 =	seq.s32 s10, $0x1;
	s10 =	sld [smem:$0x3FB9];
	_ =	sdelay $0x3  }
0x37: {  	[smem:$0x3FB9] =	sst s10  }
0x38: {  	s10 =	sld [smem:$0x3FBA]  }
0x39: {  	_ = 	snop;
	(pc) =	sbr.ind lr, $3  }
0x3a: {  	_ = 	snop  }
0x3b: {  	_ = 	snop  }
0x3c: {  	p2 =	seq.s32 s10, $0x1;
	s10 =	sld [smem:$0x3FB9]  }
0x3d: {  	_ =	shalt  }
0x3e: {  	_ =	shalt  }
0x3f: {  	_ =	shalt  }
0x40: {  	_ =	shalt  }
0x41: {  	_ =	shalt  }
0x42: {  	_ =	shalt  }
0x43: {  	_ =	shalt  }
0x44: {  	_ =	shalt  }
0x45: {  	_ =	shalt  }
0x46: {  	_ =	shalt  }
0x47: {  	_ =	shalt  }
0x48: {  	_ =	shalt  }
0x49: {  	_ =	shalt  }
0x4a: {  	_ =	shalt  }
0x4b: {  	_ =	shalt  }
0x4c: {  	_ =	shalt  }
0x4d: {  	_ =	shalt  }
0x4e: {  	_ =	shalt  }
0x4f: {  	_ =	shalt  }
0x50: {  	_ =	shalt  }
0x51: {  	_ =	shalt  }
0x52: {  	_ =	shalt  }
0x53: {  	_ =	shalt  }
0x54: {  	_ =	shalt  }
0x55: {  	_ =	shalt  }
0x56: {  	_ =	shalt  }
0x57: {  	_ =	shalt  }
0x58: {  	_ =	shalt  }
0x59: {  	_ =	shalt  }
0x5a: {  	_ =	shalt  }
0x5b: {  	_ =	shalt  }
0x5c: {  	_ =	shalt  }
0x5d: {  	_ =	shalt  }
0x5e: {  	_ =	shalt  }
0x5f: {  	_ =	shalt  }
0x60: {  	_ =	shalt  }
0x61: {  	_ =	shalt  }
0x62: {  	_ =	shalt  }
0x63: {  	_ =	shalt  }
0x64: {  	_ =	shalt  }
0x65: {  	_ =	shalt  }
0x66: {  	_ =	shalt  }
0x67: {  	_ =	shalt  }
0x68: {  	_ =	shalt  }
0x69: {  	_ =	shalt  }
0x6a: {  	_ =	shalt  }
0x6b: {  	_ =	shalt  }
0x6c: {  	_ =	shalt  }
0x6d: {  	_ =	shalt  }
0x6e: {  	_ =	shalt  }
0x6f: {  	_ =	shalt  }
0x70: {  	_ =	shalt  }
0x71: {  	_ =	shalt  }
0x72: {  	_ =	shalt  }
0x73: {  	_ =	shalt  }
0x74: {  	_ =	shalt  }
0x75: {  	_ =	shalt  }
0x76: {  	_ =	shalt  }
0x77: {  	_ =	shalt  }
0x78: {  	_ =	shalt  }
0x79: {  	_ =	shalt  }
0x7a: {  	_ =	shalt  }
0x7b: {  	_ =	shalt  }
0x7c: {  	_ =	shalt  }
0x7d: {  	_ =	shalt  }
0x7e: {  	_ =	shalt  }
0x7f: {  	_ =	shalt  }
0x80: {  	_ =	shalt  }
0x81: {  	_ =	shalt  }
0x82: {  	_ =	shalt  }
0x83: {  	_ =	shalt  }
0x84: {  	_ =	shalt  }
0x85: {  	_ =	shalt  }
0x86: {  	_ =	shalt  }
0x87: {  	_ =	shalt  }
.Lfunc_end0:
.L_simem_size_0:
called_computation_lowered:
.L_overlay_start_0:
0x88: {  	s2 =	sld [smem:$0x3FD9]  }
0x89: {  	s3 =	sld [smem:$0x3FFE];
	_ =	sdelay $0x1  }
0x8a: {  	s1 =	srdreg.scid  }
0x8b: {  	s0 =	sand.u32 $0x1, s1  }
0x8c: {  	s17 =	sshll.u32 s0, $0xA;
	s2 =	sadd.s32 s3, s2  }
0x8d: {  	s2 =	sadd.s32 s2, s17  }
0x8e: {  	[smem:$0x3FC5] =	sst s2  }
0x8f: {  	_ = 	snop  }
0x90: {  	s2 =	sld [smem:$0x3FC8]  }
0x91: {  	s18 =	sld [smem:$0x3FC7]  }
0x92: {  	s4 =	sld [smem:$0x3FD0];
	(tm) =	ssettm $0x1  }
0x93: {  	s5 =	sld [smem:$0x3FFB];
	_ =	sdelay $0x3  }
0x94: {  	_ =	strace s5  }
0x95: {  	s5 =	sld [smem:$0x3FFC];
	_ =	sdelay $0x3  }
0x96: {  	_ =	strace s5  }
0x97: {  	s5 =	sld [smem:$0x3FFD];
	_ =	sdelay $0x3  }
0x98: {  	_ =	strace s5  }
0x99: {  	_ =	strace $0x8FFFFFFF  }
0x9a: {  	s19 =	sld [smem:$0x3FDB];
	_ =	sdelay $0x1  }
0x9b: {  	s6 =	simm.s32 $_scs_section_size  }
0x9c: {  	s7 =	simm.s32 $_size__tile_overlayer_lowered;
	s8 =	simm.s32 $_tile_overlayer_lowered  }
0x9d: {  	s22 =	simm.s32 $0x1BFF;
	s21 =	sshll.u32 s8, $0x1;
	s5 =	sadd.s32 s6, s19  }
0x9e: {  	s9 =	simm.s32 $0x0;
	s20 =	sshll.u32 s7, $0x1;
	s7 =	sadd.s32 s21, s5  }
0x9f: {  	[timem:s9], [sflag:s22] =	dma.local [hbm:s7], s20  }
0xa0: {  	_ =	swait.ge [sflag:s22], s20  }
0xa1: {  	s6 =	ssub.s32 $0x0, s20;
	[sflag:s22] =	ssyncset.done $0x0  }
0xa2: {  	[sflag:s22] =	ssyncadd.s32 s6;
	_ =	sdelay $0x1  }
0xa3: {  	s23 =	simm.s32 $0x1B8B  }
0xa4: {  	_ =	swait.ge [sflag:s23], $0x1  }
0xa5: {  	[sflag:s23] =	ssyncset.done $0x0  }
0xa6: {  	s25 =	simm.s32 $0x1B8E;
	s24 =	sld [smem:$0x3FFE];
	[sflag:s23] =	ssyncadd.s32 $0xFFFFFFFF  }
0xa7: {  	s26 =	simm.s32 $execute0_lowered;
	[smem:$0x3FD2] =	sst s25  }
0xa8: {  	s7 =	sshll.u32 s26, $0x1;
	_ =	strace $0x80000046;
	[dreg:$0x1] =	wrdreg $0xFFFFFFFF  }
0xa9: {  	s28 =	simm.s32 $_size_execute0_lowered;
	s5 =	sadd.s32 s5, s7;
	[dreg:$0x0] =	wrdreg $0x0  }
0xaa: {  	s7 =	sshll.u32 s28, $0x1;
	[dreg:$0x2] =	wrdreg s5  }
0xab: {  	[dreg:$0x3] =	wrdreg s7  }
0xac: {  	[dreg:$0x4] =	wrdreg $0xC0  }
0xad: {  	_ =	task [dreg:s9], $0x5FFFF  }
0xae: {  	[dreg:$0x1] =	wrdreg $0xFFFFFFFF  }
0xaf: {  	[dreg:$0x0] =	wrdreg $0x60  }
0xb0: {  	[dreg:$0x2] =	wrdreg s24  }
0xb1: {  	[dreg:$0x3] =	wrdreg s2  }
0xb2: {  	[dreg:$0x4] =	wrdreg s18  }
0xb3: {  	[dreg:$0x5] =	wrdreg s4  }
0xb4: {  	[dreg:$0x6] =	wrdreg $0x64000  }
0xb5: {  	[dreg:$0x7] =	wrdreg $0x9  }
0xb6: {  	_ =	task.clear_ibuf [dreg:s9], $0x8FFFF;
	_ =	strace $0x90000046  }
0xb7: {  	s29 =	simm.s32 $0x9;
	_ =	strace $0x80000048  }
0xb8: {  	_ =	swait.ge [sflag:s29], $0x1  }
0xb9: {  	[sflag:s29] =	ssyncadd.s32 $0xFFFFFFFF  }
0xba: {  	_ =	strace $0x90000048  }
0xbb: {  	_ =	sfence  }
0xbc: {  	s30 =	sld [smem:$0x0];
	_ =	sdelay $0x2  }
0xbd: {  	s31 =	sshll.u32 s1, $0xD;
	s1 =	sshrl.u32 s1, $0x2  }
0xbe: {  	s3 =	sand.u32 $0x4000, s31;
	s1 =	sadd.s32 s1, s30  }
0xbf: {  	s0 =	sor.u32 s3, s0;
	s1 =	sshll.u32 s1, $0x11  }
0xc0: {  	s0 =	sor.u32 s1, s0  }
0xc1: {  	s0 =	sadd.s32 $0x8F2B, s0  }
0xc2: {  	[sflag:s0] =	ssyncadd.remote.s32 $0x1  }
0xc3: {  	_ =	sfence.sel $0xFFFF  }
0xc4: {  	[dreg:$0x0] =	wrdreg $0xFFFFFFFF;
	(pc) =	sbr.abs _section_cstart, $3  }
0xc5: {  	[dreg:$0x1] =	wrdreg $0xFFFFFFFF  }
0xc6: {  	_ =	task.clear_ibuf [dreg:s9], $0x2FFFF;
	_ =	strace $0x9FFFFFFF  }
0xc7: {  	(tm) =	ssettm $0x7FFFFFFF  }
tec
execute0_lowered:
.L_overlay_start_1:
0x0: {  	(tag) =	ssettag $0x1  }
0x1: {  	s5 =	rddreg [dreg:$0x0]  }
0x2: {  	s0 =	rddreg [dreg:$0x1]  }
0x3: {  	s2 =	srdreg.scid;
	s1 =	rddreg [dreg:$0x2]  }
0x4: {  	s10 =	stileid.u32;
	s9 =	rddreg [dreg:$0x3]  }
0x5: {  	s3 =	rddreg [dreg:$0x4];
	s4 =	simm.s32 $0x0;
	s14 =	simm.s32 $0x6A40  }
0x6: {  	s15 =	simm.s32 $0xCE40;
	s16 =	simm.s32 $0x13240;
	s17 =	simm.s32 $0x19640  }
0x7: {  	s18 =	simm.s32 $0x5;
	s19 =	simm.s32 $0x190;
	s20 =	simm.s32 $0x6  }
0x8: {  	s21 =	simm.s32 $0x1;
	s22 =	simm.s32 $0x3;
	s7 =	sand.u32 $0x1, s2  }
0x9: {  	s23 =	sshll.u32 s10, $0x1;
	s24 =	sshrl.u32 s10, $0x2;
	s2 =	rddreg [dreg:$0x5]  }
0xa: {  	[smem:$0x7FF] =	sst s4;
	s29 =	smul.u32 $0xC8000, s10;
	p0 =	sne.s32 s10, $0x0  }
0xb: {  	s10 =	simm.s32 $0x80;
	s6 =	sor.u32 s7, s23;
	s8 =	smul.u32 $0x32000, s24  }
0xc: {  	_ =	strace $0x80000047;
	s25 =	ssub.s32 $0x2, s7;
	s31 =	smul.u32 $0x64000, s7  }
0xd: {  	s13 =	sshrl.u32 @!p0 s3, $0x3;
	s23 =	simm.s32 $0x2;
	s24 =	simm.s32 $0x4  }
0xe: {  	s11 =	sshll.u32 s6, $0x7;
	s26 =	sshrl.u32 s25, $0x1;
	s12 =	smul.u32 $0x64000, s6  }
0xf: {  	s11 =	sand.u32 $0x380, s11;
	s28 =	ssub.s32 s25, s26;
	s25 =	simm.s32 $0x0  }
0x10: {  	s8 =	sor.u32 s8, s11;
	s6 =	smax.u32 s28, $0x1;
	s30 =	sadd.s32 s9, s12  }
0x11: {  	s9 =	sadd.s32 s29, s9;
	s11 =	simm.s32 $0x400;
	s8 =	sshrl.u32 s8, $0x3  }
0x12: {  	s12 =	simm.s32 $0x7;
	s7 =	sadd.s32 $0x60E00, s30;
	s5 =	sadd.s32 s8, s5  }
0x13: {  	s9 =	sadd.s32 s31, s9;
	s8 =	sadd.s32 $0x62700, s30;
	s5 =	sadd.s32 $0x400, s5  }
.LBB2_1:
0x14: {  	[tilespmem:s4], [sflag:$0x7] =	stream.strided.gather [hbm4b:s5+s10], $0x6400, s11, s10, $0x38;
	[tilespmem:$0x1FA40] =	vst v63  }
0x15: {  	_ =	swait.ge [sflag:s12], $0x6400  }
0x16: {  	[sflag:s12] =	ssyncset.done $0x0  }
0x17: {  	s26 =	simm.s32 @!p0 $0x1C07;
	[sflag:s12] =	ssyncadd.s32 $0xFFFF9C00  }
0x18: {  	[spmem:s13], [sflag:s26] =	dma.local @!p0 [hbm:s1], $0xC80  }
0x19: {  	s26 =	simm.s32 @!p0 $0x7  }
0x1a: {  	_ =	swait.ge @!p0 [sflag:s26], $0xC80  }
0x1b: {  	[sflag:s26] =	ssyncset.done @!p0 $0x0  }
0x1c: {  	[sflag:s26] =	ssyncadd.s32 @!p0 $0xFFFFF380  }
0x1d: {  	[bflag:$0x0] =	sbarrier.arrive $0xFFFF  }
0x1e: {  	[tilespmem:s14], [sflag:$0x5] =	stream.linear.gather [spmem:s3], $0x6400, $0x38;
	[tilespmem:$0x1FA40] =	vst v63  }
0x1f: {  	_ = 	snop  }
0x20: {  	[tilespmem:s15], [sflag:$0x5] =	stream.linear.gather [spmem:s3], $0x6400, $0x38;
	[tilespmem:$0x1FA40] =	vst v63  }
0x21: {  	_ = 	snop  }
0x22: {  	[tilespmem:s16], [sflag:$0x6] =	stream.linear.gather [spmem:s3], $0x6400, $0x38;
	[tilespmem:$0x1FA40] =	vst v63  }
0x23: {  	_ = 	snop  }
0x24: {  	[tilespmem:s17], [sflag:$0x6] =	stream.linear.gather [spmem:s3], $0x6400, $0x38;
	[tilespmem:$0x1FA40] =	vst v63  }
0x25: {  	_ =	swait.ge [sflag:s18], $0x6400  }
0x26: {  	[sflag:s18] =	ssyncset.done $0x0  }
0x27: {  	[sflag:s18] =	ssyncadd.s32 $0xFFFF9C00  }
0x28: {  	_ =	swait.ge [sflag:s18], $0x6400  }
0x29: {  	[sflag:s18] =	ssyncset.done $0x0  }
0x2a: {  	[sflag:s18] =	ssyncadd.s32 $0xFFFF9C00  }
0x2b: {  	[tilespmem:s14], [sflag:$0x1] =	stream.indirect.gather.add.f32 [hbm:s0], $0x80, s4, s19, $0xb8;
	[tilespmem:$0x1FA40] =	vst v63  }
0x2c: {  	_ =	swait.ge [sflag:s20], $0x6400  }
0x2d: {  	[sflag:s20] =	ssyncset.done $0x0  }
0x2e: {  	[sflag:s20] =	ssyncadd.s32 $0xFFFF9C00  }
0x2f: {  	_ =	swait.ge [sflag:s20], $0x6400  }
0x30: {  	[sflag:s20] =	ssyncset.done $0x0  }
0x31: {  	[sflag:s20] =	ssyncadd.s32 $0xFFFF9C00  }
0x32: {  	[tilespmem:s16], [sflag:$0x2] =	stream.indirect.gather.add.f32 [hbm:s0], $0x80, s19, s19, $0xb8;
	[tilespmem:$0x1FA40] =	vst v63  }
0x33: {  	_ =	swait.ge [sflag:s21], $0xC800  }
0x34: {  	[sflag:s21] =	ssyncset.done $0x0  }
0x35: {  	s31 =	sadd.s32 $0x0, s9;
	[sflag:s21] =	ssyncadd.s32 $0xFFFF3800  }
0x36: {  	[hbm4b:s31+s4] =	stream.linear.scatter [tilespmem:s14], [sflag:$0x3], $0xC800, $0x38;
	[tilespmem:$0x1FA40] =	vst v63  }
0x37: {  	_ =	swait.ge [sflag:s22], $0xC800  }
0x38: {  	[sflag:s22] =	ssyncset.done $0x0  }
0x39: {  	[sflag:s22] =	ssyncadd.s32 $0xFFFF3800  }
0x3a: {  	[tilespmem:s14], [sflag:$0x5] =	stream.linear.gather [spmem:s3], $0x6400, $0x38;
	[tilespmem:$0x1FA40] =	vst v63  }
0x3b: {  	_ = 	snop  }
0x3c: {  	[tilespmem:s15], [sflag:$0x5] =	stream.linear.gather [spmem:s3], $0x6400, $0x38;
	[tilespmem:$0x1FA40] =	vst v63  }
0x3d: {  	_ =	swait.ge [sflag:s18], $0x6400  }
0x3e: {  	[sflag:s18] =	ssyncset.done $0x0  }
0x3f: {  	[sflag:s18] =	ssyncadd.s32 $0xFFFF9C00  }
0x40: {  	_ =	swait.ge [sflag:s18], $0x6400  }
0x41: {  	[sflag:s18] =	ssyncset.done $0x0  }
0x42: {  	s28 =	simm.s32 $0x320;
	[sflag:s18] =	ssyncadd.s32 $0xFFFF9C00  }
0x43: {  	[tilespmem:s14], [sflag:$0x1] =	stream.indirect.gather.add.f32 [hbm:s0], $0x80, s28, s19, $0xb8;
	[tilespmem:$0x1FA40] =	vst v63  }
0x44: {  	_ =	swait.ge [sflag:s23], $0xC800  }
0x45: {  	[sflag:s23] =	ssyncset.done $0x0  }
0x46: {  	s26 =	sadd.s32 $0x1900, s31;
	[sflag:s23] =	ssyncadd.s32 $0xFFFF3800  }
0x47: {  	[hbm4b:s26+s4] =	stream.linear.scatter [tilespmem:s16], [sflag:$0x4], $0xC800, $0x38;
	[tilespmem:$0x1FA40] =	vst v63  }
0x48: {  	_ =	swait.ge [sflag:s24], $0xC800  }
0x49: {  	[sflag:s24] =	ssyncset.done $0x0  }
0x4a: {  	[sflag:s24] =	ssyncadd.s32 $0xFFFF3800  }
0x4b: {  	[tilespmem:s16], [sflag:$0x6] =	stream.linear.gather [spmem:s3], $0x6400, $0x38;
	[tilespmem:$0x1FA40] =	vst v63  }
0x4c: {  	_ = 	snop  }
0x4d: {  	[tilespmem:s17], [sflag:$0x6] =	stream.linear.gather [spmem:s3], $0x6400, $0x38;
	[tilespmem:$0x1FA40] =	vst v63  }
0x4e: {  	_ =	swait.ge [sflag:s20], $0x6400  }
0x4f: {  	[sflag:s20] =	ssyncset.done $0x0  }
0x50: {  	[sflag:s20] =	ssyncadd.s32 $0xFFFF9C00  }
0x51: {  	_ =	swait.ge [sflag:s20], $0x6400  }
0x52: {  	s29 =	simm.s32 $0x7D0;
	[sflag:s20] =	ssyncset.done $0x0  }
0x53: {  	s28 =	simm.s32 $0x3200;
	s26 =	simm.s32 $0x4B0;
	[sflag:s20] =	ssyncadd.s32 $0xFFFF9C00  }
.LBB2_2:
0x54: {  	[tilespmem:s16], [sflag:$0x2] =	stream.indirect.gather.add.f32 [hbm:s0], $0x80, s26, s19, $0xb8;
	[tilespmem:$0x1FA40] =	vst v63  }
0x55: {  	s30 =	smov.u32 s28;
	s26 =	smov.u32 s29  }
0x56: {  	p1 =	sne.s32 s28, $0x5DC00;
	s28 =	sadd.s32 $0x3200, s28;
	_ =	swait.ge [sflag:s21], $0xC800  }
0x57: {  	[sflag:s21] =	ssyncset.done $0x0  }
0x58: {  	s30 =	sadd.s32 s30, s9;
	[sflag:s21] =	ssyncadd.s32 $0xFFFF3800  }
0x59: {  	[hbm4b:s30+s4] =	stream.linear.scatter [tilespmem:s14], [sflag:$0x3], $0xC800, $0x38;
	[tilespmem:$0x1FA40] =	vst v63  }
0x5a: {  	_ =	swait.ge [sflag:s22], $0xC800  }
0x5b: {  	[sflag:s22] =	ssyncset.done $0x0  }
0x5c: {  	[sflag:s22] =	ssyncadd.s32 $0xFFFF3800  }
0x5d: {  	[tilespmem:s14], [sflag:$0x5] =	stream.linear.gather [spmem:s3], $0x6400, $0x38;
	[tilespmem:$0x1FA40] =	vst v63  }
0x5e: {  	_ = 	snop  }
0x5f: {  	[tilespmem:s15], [sflag:$0x5] =	stream.linear.gather [spmem:s3], $0x6400, $0x38;
	[tilespmem:$0x1FA40] =	vst v63  }
0x60: {  	_ =	swait.ge [sflag:s18], $0x6400  }
0x61: {  	[sflag:s18] =	ssyncset.done $0x0  }
0x62: {  	[sflag:s18] =	ssyncadd.s32 $0xFFFF9C00  }
0x63: {  	_ =	swait.ge [sflag:s18], $0x6400  }
0x64: {  	[sflag:s18] =	ssyncset.done $0x0  }
0x65: {  	s31 =	sadd.s32 $0xFFFFFE70, s29;
	[sflag:s18] =	ssyncadd.s32 $0xFFFF9C00  }
0x66: {  	[tilespmem:s14], [sflag:$0x1] =	stream.indirect.gather.add.f32 [hbm:s0], $0x80, s31, s19, $0xb8;
	[tilespmem:$0x1FA40] =	vst v63  }
0x67: {  	_ =	swait.ge [sflag:s23], $0xC800  }
0x68: {  	[sflag:s23] =	ssyncset.done $0x0  }
0x69: {  	s30 =	sadd.s32 $0x1900, s30;
	[sflag:s23] =	ssyncadd.s32 $0xFFFF3800  }
0x6a: {  	[hbm4b:s30+s4] =	stream.linear.scatter [tilespmem:s16], [sflag:$0x4], $0xC800, $0x38;
	[tilespmem:$0x1FA40] =	vst v63  }
0x6b: {  	_ =	swait.ge [sflag:s24], $0xC800  }
0x6c: {  	[sflag:s24] =	ssyncset.done $0x0  }
0x6d: {  	[sflag:s24] =	ssyncadd.s32 $0xFFFF3800  }
0x6e: {  	[tilespmem:s16], [sflag:$0x6] =	stream.linear.gather [spmem:s3], $0x6400, $0x38;
	[tilespmem:$0x1FA40] =	vst v63  }
0x6f: {  	_ = 	snop  }
0x70: {  	[tilespmem:s17], [sflag:$0x6] =	stream.linear.gather [spmem:s3], $0x6400, $0x38;
	[tilespmem:$0x1FA40] =	vst v63  }
0x71: {  	_ =	swait.ge [sflag:s20], $0x6400  }
.Ltmp0:
0x72: {  	[sflag:s20] =	ssyncset.done $0x0;
	(pc) =	sbr.rel @p1 .LBB2_2-.Ltmp0, $4  }
0x73: {  	[sflag:s20] =	ssyncadd.s32 $0xFFFF9C00  }
0x74: {  	_ =	swait.ge [sflag:s20], $0x6400  }
0x75: {  	[sflag:s20] =	ssyncset.done $0x0  }
0x76: {  	s29 =	sadd.s32 $0x320, s29;
	[sflag:s20] =	ssyncadd.s32 $0xFFFF9C00  }
0x77: {  	[tilespmem:s16], [sflag:$0x2] =	stream.indirect.gather.add.f32 [hbm:s0], $0x80, s26, s19, $0xb8;
	[tilespmem:$0x1FA40] =	vst v63  }
0x78: {  	_ =	swait.ge [sflag:s21], $0xC800  }
0x79: {  	[sflag:s21] =	ssyncset.done $0x0  }
0x7a: {  	[sflag:s21] =	ssyncadd.s32 $0xFFFF3800  }
0x7b: {  	[hbm4b:s7+s4] =	stream.linear.scatter [tilespmem:s14], [sflag:$0x3], $0xC800, $0x38;
	[tilespmem:$0x1FA40] =	vst v63  }
0x7c: {  	_ =	swait.ge [sflag:s23], $0xC800  }
0x7d: {  	[sflag:s23] =	ssyncset.done $0x0  }
0x7e: {  	s25 =	sadd.s32 $0x1, s25;
	[sflag:s23] =	ssyncadd.s32 $0xFFFF3800  }
0x7f: {  	[hbm4b:s8+s4] =	stream.linear.scatter [tilespmem:s16], [sflag:$0x4], $0xC800, $0x38;
	[tilespmem:$0x1FA40] =	vst v63  }
0x80: {  	p1 =	sne.s32 s25, s6;
	_ =	swait.ge [sflag:s22], $0xC800  }
.Ltmp1:
0x81: {  	[sflag:s22] =	ssyncset.done $0x0;
	(pc) =	sbr.rel @p1 .LBB2_1-.Ltmp1, $4  }
0x82: {  	[sflag:s22] =	ssyncadd.s32 $0xFFFF3800  }
0x83: {  	_ =	swait.ge [sflag:s24], $0xC800  }
0x84: {  	[sflag:s24] =	ssyncset.done $0x0  }
0x85: {  	[sflag:s24] =	ssyncadd.s32 $0xFFFF3800  }
0x86: {  	_ =	sfence.sel $0x180000  }
0x87: {  	[bflag:$0x0] =	sbarrier.arrive $0xFFFF  }
0x88: {  	_ =	strace $0x90000047  }
0x89: {  	s0 =	sadd.s32 @!p0 $0x100000, s2;
	[bflag:$0x2] =	sbarrier.arrive $0xFFFF  }
0x8a: {  	[sflag:s0] =	ssyncadd.tile.s32 @!p0 $0x1;
	_ =	shalt  }
.Lfunc_end2:
_tile_overlayer_lowered:
.L_overlay_start_2:
0x8b: {  	(tag) =	ssettag $0x2  }
0x8c: {  	s0 =	rddreg [dreg:$0x0];
	s2 =	stileid.u32  }
0x8d: {  	s1 =	rddreg [dreg:$0x1];
	p0 =	sne.s32 s2, $0x0  }
0x8e: {  	s3 =	rddreg [dreg:$0x2];
	[bflag:$0x3] =	sbarrier.arrive $0xFFFF;
	s2 =	simm.s32 @!p0 $0x1C07  }
0x8f: {  	[timem:s3], [sflag:s2] =	dma.local @!p0 [hbm:s0], s1  }
0x90: {  	s0 =	simm.s32 @!p0 $0x7  }
0x91: {  	_ =	swait.ge @!p0 [sflag:s0], s1  }
0x92: {  	s1 =	ssub.s32 @!p0 $0x0, s1;
	[sflag:s0] =	ssyncset.done @!p0 $0x0  }
0x93: {  	[sflag:s0] =	ssyncadd.s32 @!p0 s1  }
0x94: {  	[bflag:$0x3] =	sbarrier.arrive $0xFFFF  }
0x95: {  	_ =	shalt  }

</sc_bundles>
